<compile_context>
chip_gen: v7x
topology: tpu7x:2x2x1
jax: 0.10.2.dev20260603
libtpu: 0.0.44.dev20260713+nightly
codegen_flags: <defaults>
</compile_context>

<pallas_src>
import functools

import jax
import jax.numpy as jnp
from jax import lax
from jax.experimental import pallas as pl
from jax.experimental.pallas import tpu as pltpu
from jax.experimental.pallas import tpu_sc as plsc

N = 8192
EMB = 128
NUM_WORKERS = 32
CHUNK = 128
N_CHUNK_ROWS = N // CHUNK
CHUNKS_PER_W = N_CHUNK_ROWS // NUM_WORKERS

BM = 256
GRID = N // BM


def _sc_gather_body(table_hbm, idx_hbm, out_hbm, idx_v, rows_v, sem):
    wid = lax.axis_index("s") * 2 + lax.axis_index("c")
    base = wid * CHUNKS_PER_W
    pltpu.sync_copy(idx_hbm.at[pl.ds(base, CHUNKS_PER_W)], idx_v)
    copies = [
        pltpu.async_copy(table_hbm.at[idx_v.at[j]], rows_v.at[j], sem)
        for j in range(CHUNKS_PER_W)
    ]
    for c in copies:
        c.wait()
    pltpu.sync_copy(rows_v, out_hbm.at[pl.ds(base, CHUNKS_PER_W)])


def _sc_gather(embed, idx2d):
    mesh = plsc.VectorSubcoreMesh(core_axis_name="c", subcore_axis_name="s")
    run = pl.kernel(
        _sc_gather_body,
        out_type=jax.ShapeDtypeStruct((N_CHUNK_ROWS, CHUNK, EMB), jnp.float32),
        mesh=mesh,
        scratch_types=[
            pltpu.VMEM((CHUNKS_PER_W, CHUNK), jnp.int32),
            pltpu.VMEM((CHUNKS_PER_W, CHUNK, EMB), jnp.float32),
            pltpu.SemaphoreType.DMA,
        ],
    )
    return run(embed, idx2d)


def _tc_body(x0_ref, adj_ref, w1_ref, b1_ref, w2_ref, b2_ref, out_ref,
             x1_ref, y_ref, cs_ref):
    i = pl.program_id(0)

    @pl.when(i == 0)
    def _gc1():
        x1_ref[...] = jnp.maximum(
            jnp.dot(x0_ref[...], w1_ref[...],
                    preferred_element_type=jnp.float32) + b1_ref[...],
            0.0).astype(jnp.bfloat16)

    blk = adj_ref[...]
    y_ref[pl.ds(i * BM, BM), :] = jnp.dot(
        blk.astype(jnp.bfloat16), x1_ref[...],
        preferred_element_type=jnp.float32)
    part = jnp.sum(blk.reshape(BM // 8, 8, N), axis=0)

    @pl.when(i == 0)
    def _cs_init():
        cs_ref[...] = part

    @pl.when(i > 0)
    def _cs_acc():
        cs_ref[...] = cs_ref[...] + part

    @pl.when(i == GRID - 1)
    def _readout():
        x2 = jnp.maximum(
            jnp.dot(y_ref[...], w2_ref[...],
                    preferred_element_type=jnp.float32) + b2_ref[...], 0.0)
        cs = jnp.sum(cs_ref[...], axis=0, keepdims=True)
        out_ref[...] = jnp.dot(cs, x2, preferred_element_type=jnp.float32)


def _tc_fused(x0, adj, W1, b1, W2, b2):
    return pl.pallas_call(
        _tc_body,
        grid=(GRID,),
        in_specs=[
            pl.BlockSpec((N, EMB), lambda i: (0, 0)),
            pl.BlockSpec((BM, N), lambda i: (i, 0)),
            pl.BlockSpec((EMB, EMB), lambda i: (0, 0)),
            pl.BlockSpec((1, EMB), lambda i: (0, 0)),
            pl.BlockSpec((EMB, EMB), lambda i: (0, 0)),
            pl.BlockSpec((1, EMB), lambda i: (0, 0)),
        ],
        out_specs=pl.BlockSpec((1, EMB), lambda i: (0, 0)),
        out_shape=jax.ShapeDtypeStruct((1, EMB), jnp.float32),
        scratch_shapes=[
            pltpu.VMEM((N, EMB), jnp.bfloat16),
            pltpu.VMEM((N, EMB), jnp.float32),
            pltpu.VMEM((8, N), jnp.float32),
        ],
    )(x0, adj, W1, b1, W2, b2)


@jax.jit
def kernel(indices, adj_mat, embed, W1, b1, W2, b2):
    idx2d = indices.astype(jnp.int32).reshape(N_CHUNK_ROWS, CHUNK)
    x0 = _sc_gather(embed, idx2d).reshape(N, EMB)
    out = _tc_fused(x0, adj_mat, W1, b1.reshape(1, EMB), W2,
                    b2.reshape(1, EMB))
    return out.reshape(EMB)

# --- scband reference (transcript-rebuilt; emitter-appended) ---
"""Pipeline reference for scband-gcn-drug-embedder-28157805593353 (READ-ONLY COPY).

The authoritative reference and input builder live on the scoring server;
editing this copy changes nothing except your own understanding.
"""

import jax, jax.numpy as jnp
import numpy as np

VOCAB = 100000
EMB = 128
N = 8192


def setup_inputs(seed: int = 0) -> dict:
    key = jax.random.key(seed)
    k_idx, k_adj, k_emb, k_w1, k_b1, k_w2, k_b2 = jax.random.split(key, 7)
    indices = jax.random.randint(k_idx, (N,), 0, VOCAB, dtype=jnp.int64) if jax.config.jax_enable_x64 else jax.random.randint(k_idx, (N,), 0, VOCAB, dtype=jnp.int32)
    adj_mat = jax.random.uniform(k_adj, (N, N), dtype=jnp.float32)
    embed = jax.random.normal(k_emb, (VOCAB, EMB), dtype=jnp.float32) * 0.02
    W1 = jax.random.normal(k_w1, (EMB, EMB), dtype=jnp.float32) * (1.0 / np.sqrt(EMB))
    b1 = jnp.zeros((EMB,), dtype=jnp.float32)
    W2 = jax.random.normal(k_w2, (EMB, EMB), dtype=jnp.float32) * (1.0 / np.sqrt(EMB))
    b2 = jnp.zeros((EMB,), dtype=jnp.float32)
    return {"indices": indices, "adj_mat": adj_mat, "embed": embed, "W1": W1, "b1": b1, "W2": W2, "b2": b2}


def reference(indices, adj_mat, embed, W1, b1, W2, b2):
    # x = self.embed(indices)  -- embedding gather (SparseCore-friendly)
    x = jnp.take(embed, indices, axis=0)
    # x = self.gc1(x)  -- per-node linear transform + nonlinearity
    x = jax.nn.relu(x @ W1 + b1)
    # x = self.pool1(x, adj_mat)  -- neighborhood aggregation via dense adjacency
    x = adj_mat @ x
    # x = self.gc2(x)
    x = jax.nn.relu(x @ W2 + b2)
    # x = self.pool1(x, adj_mat)  (module reuses pool1)
    x = adj_mat @ x
    # return np.sum(x, axis=0)  -- global readout over nodes
    return jnp.sum(x, axis=0)

if __name__ == "__main__":
    import jax
    _d = setup_inputs()
    print(jax.jit(kernel)(*tuple(_d.values())))

</pallas_src>

<mosaic_0001>
#map = affine_map<(d0, d1) -> (0, 0)>
#map1 = affine_map<(d0, d1) -> (0, 0, 0)>
module attributes {stable_mosaic.version = 14 : i64} {
  func.func @_sc_gather_body(%arg0: i32, %arg1: i32, %arg2: memref<100000x128xf32, #tpu.memory_space<hbm>>, %arg3: memref<64x128xi32, #tpu.memory_space<hbm>>, %arg4: memref<64x128x128xf32, #tpu.memory_space<hbm>>, %arg5: memref<2x128xi32, #tpu.memory_space<vmem>>, %arg6: memref<2x128x128xf32, #tpu.memory_space<vmem>>, %arg7: memref<!tpu.dma_semaphore, #tpu.memory_space<semaphore_mem>>) attributes {dimension_semantics = [#tpu.dimension_semantics<core_parallel>, #tpu.dimension_semantics<subcore_parallel>], iteration_bounds = array<i64: 2, 16>, scalar_prefetch = 0 : i64, scratch_operands = 3 : i64, tpu.core_type = #tpu.core_type<sc_vector_subcore>, window_params = [{transform_indices = #map}, {transform_indices = #map}, {transform_indices = #map1}]} {
    %mul3A = arith.constant 2 : i32
    %mul3A_0 = arith.muli %arg1, %mul3A : i32
    %add3A = arith.addi %mul3A_0, %arg0 : i32
    %mul3A_1 = arith.constant 2 : i32
    %mul3A_2 = arith.muli %add3A, %mul3A_1 : i32
    "tpu.region"() ({
      %run_scoped3A = tpu.sem_alloc : memref<!tpu.dma_semaphore, #tpu.memory_space<semaphore_mem>>
      %dma_start3A_49 = arith.constant 0 : i32
      %dma_start3A_50 = tpu.memref_slice %arg3[%mul3A_2, %dma_start3A_49] : memref<64x128xi32, #tpu.memory_space<hbm>> -> memref<2x128xi32, #tpu.memory_space<hbm>>
      %dma_start3A_51 = arith.constant 0 : i32
      %dma_start3A_52 = tpu.memref_slice %arg3[%mul3A_2, %dma_start3A_51] : memref<64x128xi32, #tpu.memory_space<hbm>> -> memref<2x128xi32, #tpu.memory_space<hbm>>
      tpu.enqueue_dma source(%dma_start3A_52 : memref<2x128xi32, #tpu.memory_space<hbm>>) target(%arg5 : memref<2x128xi32, #tpu.memory_space<vmem>>) target_semaphore(%run_scoped3A : memref<!tpu.dma_semaphore, #tpu.memory_space<semaphore_mem>>)
      %dma_wait3A_53 = arith.constant 0 : i32
      %dma_wait3A_54 = tpu.memref_slice %arg3[%mul3A_2, %dma_wait3A_53] : memref<64x128xi32, #tpu.memory_space<hbm>> -> memref<2x128xi32, #tpu.memory_space<hbm>>
      %dma_wait3A_55 = arith.constant 0 : i32
      %dma_wait3A_56 = tpu.memref_slice %arg3[%mul3A_2, %dma_wait3A_55] : memref<64x128xi32, #tpu.memory_space<hbm>> -> memref<2x128xi32, #tpu.memory_space<hbm>>
      tpu.wait_dma2 semaphore(%run_scoped3A : memref<!tpu.dma_semaphore, #tpu.memory_space<semaphore_mem>>) src(%dma_wait3A_56 : memref<2x128xi32, #tpu.memory_space<hbm>>) dst(%arg5 : memref<2x128xi32, #tpu.memory_space<vmem>>)
      tpu.yield
    }) : () -> ()
    %dma_start3A = arith.constant 0 : i32
    %dma_start3A_3 = arith.constant 0 : i32
    %dma_start3A_4 = arith.constant 0 : i32
    %dma_start3A_5 = arith.constant 0 : i32
    %dma_start3A_6 = tpu.memref_slice %arg6[%dma_start3A_3, %dma_start3A_4, %dma_start3A_5] : memref<2x128x128xf32, #tpu.memory_space<vmem>> -> memref<1x128x128xf32, #tpu.memory_space<vmem>>
    %dma_start3A_7 = tpu.memref_squeeze %dma_start3A_6 : memref<1x128x128xf32, #tpu.memory_space<vmem>> -> memref<128x128xf32, #tpu.memory_space<vmem>>
    %dma_start3A_8 = arith.constant 0 : i32
    %dma_start3A_9 = tpu.memref_slice %arg5[%dma_start3A, %dma_start3A_8] : memref<2x128xi32, #tpu.memory_space<vmem>> -> memref<1x128xi32, #tpu.memory_space<vmem>>
    %dma_start3A_10 = tpu.memref_squeeze %dma_start3A_9 : memref<1x128xi32, #tpu.memory_space<vmem>> -> memref<128xi32, #tpu.memory_space<vmem>>
    %dma_start3A_11 = arith.constant 0 : i32
    %dma_start3A_12 = arith.constant 0 : i32
    %dma_start3A_13 = tpu.memref_slice %arg2[%dma_start3A_11, %dma_start3A_12] : memref<100000x128xf32, #tpu.memory_space<hbm>> -> memref<100000x128xf32, #tpu.memory_space<hbm>>
    tpu.enqueue_indirect_dma source(%dma_start3A_13 : memref<100000x128xf32, #tpu.memory_space<hbm>>) target(%dma_start3A_7 : memref<128x128xf32, #tpu.memory_space<vmem>>) offsets(%dma_start3A_10 : memref<128xi32, #tpu.memory_space<vmem>>) semaphore(%arg7 : memref<!tpu.dma_semaphore, #tpu.memory_space<semaphore_mem>>)
    %dma_start3A_14 = arith.constant 1 : i32
    %dma_start3A_15 = arith.constant 1 : i32
    %dma_start3A_16 = arith.constant 0 : i32
    %dma_start3A_17 = arith.constant 0 : i32
    %dma_start3A_18 = tpu.memref_slice %arg6[%dma_start3A_15, %dma_start3A_16, %dma_start3A_17] : memref<2x128x128xf32, #tpu.memory_space<vmem>> -> memref<1x128x128xf32, #tpu.memory_space<vmem>>
    %dma_start3A_19 = tpu.memref_squeeze %dma_start3A_18 : memref<1x128x128xf32, #tpu.memory_space<vmem>> -> memref<128x128xf32, #tpu.memory_space<vmem>>
    %dma_start3A_20 = arith.constant 0 : i32
    %dma_start3A_21 = tpu.memref_slice %arg5[%dma_start3A_14, %dma_start3A_20] : memref<2x128xi32, #tpu.memory_space<vmem>> -> memref<1x128xi32, #tpu.memory_space<vmem>>
    %dma_start3A_22 = tpu.memref_squeeze %dma_start3A_21 : memref<1x128xi32, #tpu.memory_space<vmem>> -> memref<128xi32, #tpu.memory_space<vmem>>
    %dma_start3A_23 = arith.constant 0 : i32
    %dma_start3A_24 = arith.constant 0 : i32
    %dma_start3A_25 = tpu.memref_slice %arg2[%dma_start3A_23, %dma_start3A_24] : memref<100000x128xf32, #tpu.memory_space<hbm>> -> memref<100000x128xf32, #tpu.memory_space<hbm>>
    tpu.enqueue_indirect_dma source(%dma_start3A_25 : memref<100000x128xf32, #tpu.memory_space<hbm>>) target(%dma_start3A_19 : memref<128x128xf32, #tpu.memory_space<vmem>>) offsets(%dma_start3A_22 : memref<128xi32, #tpu.memory_space<vmem>>) semaphore(%arg7 : memref<!tpu.dma_semaphore, #tpu.memory_space<semaphore_mem>>)
    %dma_wait3A = arith.constant 0 : i32
    %dma_wait3A_26 = arith.constant 0 : i32
    %dma_wait3A_27 = arith.constant 0 : i32
    %dma_wait3A_28 = arith.constant 0 : i32
    %dma_wait3A_29 = tpu.memref_slice %arg6[%dma_wait3A_26, %dma_wait3A_27, %dma_wait3A_28] : memref<2x128x128xf32, #tpu.memory_space<vmem>> -> memref<1x128x128xf32, #tpu.memory_space<vmem>>
    %dma_wait3A_30 = tpu.memref_squeeze %dma_wait3A_29 : memref<1x128x128xf32, #tpu.memory_space<vmem>> -> memref<128x128xf32, #tpu.memory_space<vmem>>
    %dma_wait3A_31 = arith.constant 0 : i32
    %dma_wait3A_32 = tpu.memref_slice %arg5[%dma_wait3A, %dma_wait3A_31] : memref<2x128xi32, #tpu.memory_space<vmem>> -> memref<1x128xi32, #tpu.memory_space<vmem>>
    %dma_wait3A_33 = tpu.memref_squeeze %dma_wait3A_32 : memref<1x128xi32, #tpu.memory_space<vmem>> -> memref<128xi32, #tpu.memory_space<vmem>>
    %dma_wait3A_34 = arith.constant 0 : i32
    %dma_wait3A_35 = arith.constant 0 : i32
    %dma_wait3A_36 = tpu.memref_slice %arg2[%dma_wait3A_34, %dma_wait3A_35] : memref<100000x128xf32, #tpu.memory_space<hbm>> -> memref<100000x128xf32, #tpu.memory_space<hbm>>
    tpu.wait_indirect_dma semaphore(%arg7 : memref<!tpu.dma_semaphore, #tpu.memory_space<semaphore_mem>>) src(%dma_wait3A_36 : memref<100000x128xf32, #tpu.memory_space<hbm>>) dst(%dma_wait3A_30 : memref<128x128xf32, #tpu.memory_space<vmem>>)
    %dma_wait3A_37 = arith.constant 1 : i32
    %dma_wait3A_38 = arith.constant 1 : i32
    %dma_wait3A_39 = arith.constant 0 : i32
    %dma_wait3A_40 = arith.constant 0 : i32
    %dma_wait3A_41 = tpu.memref_slice %arg6[%dma_wait3A_38, %dma_wait3A_39, %dma_wait3A_40] : memref<2x128x128xf32, #tpu.memory_space<vmem>> -> memref<1x128x128xf32, #tpu.memory_space<vmem>>
    %dma_wait3A_42 = tpu.memref_squeeze %dma_wait3A_41 : memref<1x128x128xf32, #tpu.memory_space<vmem>> -> memref<128x128xf32, #tpu.memory_space<vmem>>
    %dma_wait3A_43 = arith.constant 0 : i32
    %dma_wait3A_44 = tpu.memref_slice %arg5[%dma_wait3A_37, %dma_wait3A_43] : memref<2x128xi32, #tpu.memory_space<vmem>> -> memref<1x128xi32, #tpu.memory_space<vmem>>
    %dma_wait3A_45 = tpu.memref_squeeze %dma_wait3A_44 : memref<1x128xi32, #tpu.memory_space<vmem>> -> memref<128xi32, #tpu.memory_space<vmem>>
    %dma_wait3A_46 = arith.constant 0 : i32
    %dma_wait3A_47 = arith.constant 0 : i32
    %dma_wait3A_48 = tpu.memref_slice %arg2[%dma_wait3A_46, %dma_wait3A_47] : memref<100000x128xf32, #tpu.memory_space<hbm>> -> memref<100000x128xf32, #tpu.memory_space<hbm>>
    tpu.wait_indirect_dma semaphore(%arg7 : memref<!tpu.dma_semaphore, #tpu.memory_space<semaphore_mem>>) src(%dma_wait3A_48 : memref<100000x128xf32, #tpu.memory_space<hbm>>) dst(%dma_wait3A_42 : memref<128x128xf32, #tpu.memory_space<vmem>>)
    "tpu.region"() ({
      %run_scoped3A = tpu.sem_alloc : memref<!tpu.dma_semaphore, #tpu.memory_space<semaphore_mem>>
      %dma_start3A_49 = arith.constant 0 : i32
      %dma_start3A_50 = arith.constant 0 : i32
      %dma_start3A_51 = tpu.memref_slice %arg4[%mul3A_2, %dma_start3A_49, %dma_start3A_50] : memref<64x128x128xf32, #tpu.memory_space<hbm>> -> memref<2x128x128xf32, #tpu.memory_space<hbm>>
      %dma_start3A_52 = arith.constant 0 : i32
      %dma_start3A_53 = arith.constant 0 : i32
      %dma_start3A_54 = tpu.memref_slice %arg4[%mul3A_2, %dma_start3A_52, %dma_start3A_53] : memref<64x128x128xf32, #tpu.memory_space<hbm>> -> memref<2x128x128xf32, #tpu.memory_space<hbm>>
      tpu.enqueue_dma source(%arg6 : memref<2x128x128xf32, #tpu.memory_space<vmem>>) target(%dma_start3A_54 : memref<2x128x128xf32, #tpu.memory_space<hbm>>) target_semaphore(%run_scoped3A : memref<!tpu.dma_semaphore, #tpu.memory_space<semaphore_mem>>)
      %dma_wait3A_55 = arith.constant 0 : i32
      %dma_wait3A_56 = arith.constant 0 : i32
      %dma_wait3A_57 = tpu.memref_slice %arg4[%mul3A_2, %dma_wait3A_55, %dma_wait3A_56] : memref<64x128x128xf32, #tpu.memory_space<hbm>> -> memref<2x128x128xf32, #tpu.memory_space<hbm>>
      %dma_wait3A_58 = arith.constant 0 : i32
      %dma_wait3A_59 = arith.constant 0 : i32
      %dma_wait3A_60 = tpu.memref_slice %arg4[%mul3A_2, %dma_wait3A_58, %dma_wait3A_59] : memref<64x128x128xf32, #tpu.memory_space<hbm>> -> memref<2x128x128xf32, #tpu.memory_space<hbm>>
      tpu.wait_dma2 semaphore(%run_scoped3A : memref<!tpu.dma_semaphore, #tpu.memory_space<semaphore_mem>>) src(%arg6 : memref<2x128x128xf32, #tpu.memory_space<vmem>>) dst(%dma_wait3A_60 : memref<2x128x128xf32, #tpu.memory_space<hbm>>)
      tpu.yield
    }) : () -> ()
    return
  }
}

module attributes {stable_mosaic.version = 14 : i64} {
  func.func @_tc_body(%arg0: i32, %arg1: memref<8192x128xf32, #tpu.memory_space<vmem>>, %arg2: memref<256x8192xf32, #tpu.memory_space<vmem>>, %arg3: memref<128x128xf32, #tpu.memory_space<vmem>>, %arg4: memref<1x128xf32, #tpu.memory_space<vmem>>, %arg5: memref<128x128xf32, #tpu.memory_space<vmem>>, %arg6: memref<1x128xf32, #tpu.memory_space<vmem>>, %arg7: memref<1x128xf32, #tpu.memory_space<vmem>>, %arg8: memref<8192x128xbf16, #tpu.memory_space<vmem>>, %arg9: memref<8192x128xf32, #tpu.memory_space<vmem>>, %arg10: memref<8x8192xf32, #tpu.memory_space<vmem>>) attributes {dimension_semantics = [#tpu.dimension_semantics<arbitrary>], iteration_bounds = array<i64: 32>, scalar_prefetch = 0 : i64, scratch_operands = 3 : i64, tpu.core_type = #tpu.core_type<tc>, window_params = [{pipeline_mode = #tpu.pipeline_mode<synchronous>, transform_indices = @transform_0, window_bounds = array<i64: 8192, 128>}, {transform_indices = @transform_1, window_bounds = array<i64: 256, 8192>}, {pipeline_mode = #tpu.pipeline_mode<synchronous>, transform_indices = @transform_2, window_bounds = array<i64: 128, 128>}, {pipeline_mode = #tpu.pipeline_mode<synchronous>, transform_indices = @transform_3, window_bounds = array<i64: 1, 128>}, {pipeline_mode = #tpu.pipeline_mode<synchronous>, transform_indices = @transform_4, window_bounds = array<i64: 128, 128>}, {pipeline_mode = #tpu.pipeline_mode<synchronous>, transform_indices = @transform_5, window_bounds = array<i64: 1, 128>}, {pipeline_mode = #tpu.pipeline_mode<synchronous>, transform_indices = @transform_6, window_bounds = array<i64: 1, 128>}]} {
    %eq3A = arith.constant 0 : i32
    %eq3A_0 = arith.cmpi eq, %arg0, %eq3A : i32
    %convert_element_type3A = arith.extui %eq3A_0 : i1 to i32
    %cond3A = arith.constant 0 : i32
    %cond3A_1 = arith.cmpi ne, %convert_element_type3A, %cond3A : i32
    scf.if %cond3A_1 {
      %get3A_27 = arith.constant 0 : index
      %get3A_28 = arith.constant 0 : index
      %get3A_29 = vector.load %arg1[%get3A_27, %get3A_28] : memref<8192x128xf32, #tpu.memory_space<vmem>>, vector<8192x128xf32>
      %get3A_30 = arith.constant 0 : index
      %get3A_31 = arith.constant 0 : index
      %get3A_32 = vector.load %arg3[%get3A_30, %get3A_31] : memref<128x128xf32, #tpu.memory_space<vmem>>, vector<128x128xf32>
      %dot_general3A_33 = arith.constant dense<0.000000e+00> : vector<8192x128xf32>
      %dot_general3A_34 = tpu.matmul %get3A_29, %get3A_32, %dot_general3A_33 {dimension_numbers = #tpu.dot_dimension_numbers<[1], [0], [0], [1], [0, 0, 1, 1], [], []>, transpose_lhs_hint = false} : vector<8192x128xf32>, vector<128x128xf32>, vector<8192x128xf32> -> vector<8192x128xf32>
      %get3A_35 = arith.constant 0 : index
      %get3A_36 = arith.constant 0 : index
      %get3A_37 = vector.load %arg4[%get3A_35, %get3A_36] : memref<1x128xf32, #tpu.memory_space<vmem>>, vector<1x128xf32>
      %add3A = vector.broadcast %get3A_37 : vector<1x128xf32> to vector<8192x128xf32>
      %add3A_38 = arith.addf %dot_general3A_34, %add3A : vector<8192x128xf32>
      %max3A = arith.constant 0.000000e+00 : f32
      %max3A_39 = vector.broadcast %max3A : f32 to vector<8192x128xf32>
      %max3A_40 = arith.maximumf %add3A_38, %max3A_39 : vector<8192x128xf32>
      %convert_element_type3A_41 = arith.truncf %max3A_40 : vector<8192x128xf32> to vector<8192x128xbf16>
      %swap3A_42 = arith.constant 0 : index
      %swap3A_43 = arith.constant 0 : index
      %swap3A_44 = vector.load %arg8[%swap3A_42, %swap3A_43] : memref<8192x128xbf16, #tpu.memory_space<vmem>>, vector<8192x128xbf16>
      tpu.vector_store %arg8[%swap3A_42, %swap3A_43], %convert_element_type3A_41 {strides = array<i32>} : memref<8192x128xbf16, #tpu.memory_space<vmem>>, vector<8192x128xbf16>,
    } else {
    }
    %get3A = arith.constant 0 : index
    %get3A_2 = arith.constant 0 : index
    %get3A_3 = vector.load %arg2[%get3A, %get3A_2] : memref<256x8192xf32, #tpu.memory_space<vmem>>, vector<256x8192xf32>
    %convert_element_type3A_4 = arith.truncf %get3A_3 : vector<256x8192xf32> to vector<256x8192xbf16>
    %get3A_5 = arith.constant 0 : index
    %get3A_6 = arith.constant 0 : index
    %get3A_7 = vector.load %arg8[%get3A_5, %get3A_6] : memref<8192x128xbf16, #tpu.memory_space<vmem>>, vector<8192x128xbf16>
    %dot_general3A = arith.constant dense<0.000000e+00> : vector<256x128xf32>
    %dot_general3A_8 = tpu.matmul %convert_element_type3A_4, %get3A_7, %dot_general3A {dimension_numbers = #tpu.dot_dimension_numbers<[1], [0], [0], [1], [0, 0, 1, 1], [], []>, transpose_lhs_hint = false} : vector<256x8192xbf16>, vector<8192x128xbf16>, vector<256x128xf32> -> vector<256x128xf32>
    %mul3A = arith.constant 256 : i32
    %mul3A_9 = arith.muli %arg0, %mul3A : i32
    %swap3A = arith.index_cast %mul3A_9 : i32 to index
    %swap3A_10 = arith.constant 0 : index
    %swap3A_11 = vector.load %arg9[%swap3A, %swap3A_10] : memref<8192x128xf32, #tpu.memory_space<vmem>>, vector<256x128xf32>
    tpu.vector_store %arg9[%swap3A, %swap3A_10], %dot_general3A_8 {strides = array<i32>} : memref<8192x128xf32, #tpu.memory_space<vmem>>, vector<256x128xf32>,
    %reshape3A = vector.shape_cast %get3A_3 : vector<256x8192xf32> to vector<32x8x8192xf32>
    %reduce_sum3A = arith.constant dense<0.000000e+00> : vector<8x8192xf32>
    %reduce_sum3A_12 = vector.multi_reduction <add>, %reshape3A, %reduce_sum3A [0] : vector<32x8x8192xf32> to vector<8x8192xf32>
    %eq3A_13 = arith.constant 0 : i32
    %eq3A_14 = arith.cmpi eq, %arg0, %eq3A_13 : i32
    %convert_element_type3A_15 = arith.extui %eq3A_14 : i1 to i32
    %cond3A_16 = arith.constant 0 : i32
    %cond3A_17 = arith.cmpi ne, %convert_element_type3A_15, %cond3A_16 : i32
    scf.if %cond3A_17 {
      %swap3A_27 = arith.constant 0 : index
      %swap3A_28 = arith.constant 0 : index
      %swap3A_29 = vector.load %arg10[%swap3A_27, %swap3A_28] : memref<8x8192xf32, #tpu.memory_space<vmem>>, vector<8x8192xf32>
      tpu.vector_store %arg10[%swap3A_27, %swap3A_28], %reduce_sum3A_12 {strides = array<i32>} : memref<8x8192xf32, #tpu.memory_space<vmem>>, vector<8x8192xf32>,
    } else {
    }
    %gt3A = arith.constant 0 : i32
    %gt3A_18 = arith.cmpi sgt, %arg0, %gt3A : i32
    %convert_element_type3A_19 = arith.extui %gt3A_18 : i1 to i32
    %cond3A_20 = arith.constant 0 : i32
    %cond3A_21 = arith.cmpi ne, %convert_element_type3A_19, %cond3A_20 : i32
    scf.if %cond3A_21 {
      %get3A_27 = arith.constant 0 : index
      %get3A_28 = arith.constant 0 : index
      %get3A_29 = vector.load %arg10[%get3A_27, %get3A_28] : memref<8x8192xf32, #tpu.memory_space<vmem>>, vector<8x8192xf32>
      %add3A = arith.addf %get3A_29, %reduce_sum3A_12 : vector<8x8192xf32>
      %swap3A_30 = arith.constant 0 : index
      %swap3A_31 = arith.constant 0 : index
      %swap3A_32 = vector.load %arg10[%swap3A_30, %swap3A_31] : memref<8x8192xf32, #tpu.memory_space<vmem>>, vector<8x8192xf32>
      tpu.vector_store %arg10[%swap3A_30, %swap3A_31], %add3A {strides = array<i32>} : memref<8x8192xf32, #tpu.memory_space<vmem>>, vector<8x8192xf32>,
    } else {
    }
    %eq3A_22 = arith.constant 31 : i32
    %eq3A_23 = arith.cmpi eq, %arg0, %eq3A_22 : i32
    %convert_element_type3A_24 = arith.extui %eq3A_23 : i1 to i32
    %cond3A_25 = arith.constant 0 : i32
    %cond3A_26 = arith.cmpi ne, %convert_element_type3A_24, %cond3A_25 : i32
    scf.if %cond3A_26 {
      %get3A_27 = arith.constant 0 : index
      %get3A_28 = arith.constant 0 : index
      %get3A_29 = vector.load %arg9[%get3A_27, %get3A_28] : memref<8192x128xf32, #tpu.memory_space<vmem>>, vector<8192x128xf32>
      %get3A_30 = arith.constant 0 : index
      %get3A_31 = arith.constant 0 : index
      %get3A_32 = vector.load %arg5[%get3A_30, %get3A_31] : memref<128x128xf32, #tpu.memory_space<vmem>>, vector<128x128xf32>
      %dot_general3A_33 = arith.constant dense<0.000000e+00> : vector<8192x128xf32>
      %dot_general3A_34 = tpu.matmul %get3A_29, %get3A_32, %dot_general3A_33 {dimension_numbers = #tpu.dot_dimension_numbers<[1], [0], [0], [1], [0, 0, 1, 1], [], []>, transpose_lhs_hint = false} : vector<8192x128xf32>, vector<128x128xf32>, vector<8192x128xf32> -> vector<8192x128xf32>
      %get3A_35 = arith.constant 0 : index
      %get3A_36 = arith.constant 0 : index
      %get3A_37 = vector.load %arg6[%get3A_35, %get3A_36] : memref<1x128xf32, #tpu.memory_space<vmem>>, vector<1x128xf32>
      %add3A = vector.broadcast %get3A_37 : vector<1x128xf32> to vector<8192x128xf32>
      %add3A_38 = arith.addf %dot_general3A_34, %add3A : vector<8192x128xf32>
      %max3A = arith.constant 0.000000e+00 : f32
      %max3A_39 = vector.broadcast %max3A : f32 to vector<8192x128xf32>
      %max3A_40 = arith.maximumf %add3A_38, %max3A_39 : vector<8192x128xf32>
      %get3A_41 = arith.constant 0 : index
      %get3A_42 = arith.constant 0 : index
      %get3A_43 = vector.load %arg10[%get3A_41, %get3A_42] : memref<8x8192xf32, #tpu.memory_space<vmem>>, vector<8x8192xf32>
      %reduce_sum3A_44 = arith.constant dense<0.000000e+00> : vector<8192xf32>
      %reduce_sum3A_45 = vector.multi_reduction <add>, %get3A_43, %reduce_sum3A_44 [0] : vector<8x8192xf32> to vector<8192xf32>
      %broadcast_in_dim3A = vector.shape_cast %reduce_sum3A_45 : vector<8192xf32> to vector<1x8192xf32>
      %dot_general3A_46 = arith.constant dense<0.000000e+00> : vector<1x128xf32>
      %dot_general3A_47 = tpu.matmul %broadcast_in_dim3A, %max3A_40, %dot_general3A_46 {dimension_numbers = #tpu.dot_dimension_numbers<[1], [0], [0], [1], [0, 0, 1, 1], [], []>, transpose_lhs_hint = false} : vector<1x8192xf32>, vector<8192x128xf32>, vector<1x128xf32> -> vector<1x128xf32>
      %swap3A_48 = arith.constant 0 : index
      %swap3A_49 = arith.constant 0 : index
      %swap3A_50 = vector.load %arg7[%swap3A_48, %swap3A_49] : memref<1x128xf32, #tpu.memory_space<vmem>>, vector<1x128xf32>
      tpu.vector_store %arg7[%swap3A_48, %swap3A_49], %dot_general3A_47 {strides = array<i32>} : memref<1x128xf32, #tpu.memory_space<vmem>>, vector<1x128xf32>,
    } else {
    }
    return
  }
  func.func @transform_0(%arg0: i32) -> (i32, i32) {
    %c0_i32 = arith.constant 0 : i32
    %c0_i32_0 = arith.constant 0 : i32
    %c0_i32_1 = arith.constant 0 : i32
    return %c0_i32, %c0_i32_0 : i32, i32
  }
  func.func @transform_1(%arg0: i32) -> (i32, i32) {
    %c0_i32 = arith.constant 0 : i32
    %c0_i32_0 = arith.constant 0 : i32
    return %arg0, %c0_i32 : i32, i32
  }
  func.func @transform_2(%arg0: i32) -> (i32, i32) {
    %c0_i32 = arith.constant 0 : i32
    %c0_i32_0 = arith.constant 0 : i32
    %c0_i32_1 = arith.constant 0 : i32
    return %c0_i32, %c0_i32_0 : i32, i32
  }
  func.func @transform_3(%arg0: i32) -> (i32, i32) {
    %c0_i32 = arith.constant 0 : i32
    %c0_i32_0 = arith.constant 0 : i32
    %c0_i32_1 = arith.constant 0 : i32
    return %c0_i32, %c0_i32_0 : i32, i32
  }
  func.func @transform_4(%arg0: i32) -> (i32, i32) {
    %c0_i32 = arith.constant 0 : i32
    %c0_i32_0 = arith.constant 0 : i32
    %c0_i32_1 = arith.constant 0 : i32
    return %c0_i32, %c0_i32_0 : i32, i32
  }
  func.func @transform_5(%arg0: i32) -> (i32, i32) {
    %c0_i32 = arith.constant 0 : i32
    %c0_i32_0 = arith.constant 0 : i32
    %c0_i32_1 = arith.constant 0 : i32
    return %c0_i32, %c0_i32_0 : i32, i32
  }
  func.func @transform_6(%arg0: i32) -> (i32, i32) {
    %c0_i32 = arith.constant 0 : i32
    %c0_i32_0 = arith.constant 0 : i32
    %c0_i32_1 = arith.constant 0 : i32
    return %c0_i32, %c0_i32_0 : i32, i32
  }
}

</mosaic_0001>

<sc_bundles>
// kernel: kernel.4.cloned.1.call-start
scs
__scs_entry_jumppad:
0x0: {  	(pc) =	sbr.rel $0x88, $3  }
0x1: {  	(tag) =	ssettag $0x0;
	lr =	simm.s32 $0x1  }
0x2: {  	[smem:$0x3F9A] =	sst lr;
	_ =	strace $0xD0000000  }
0x3: {  	_ = 	snop  }
0x4: {  	_ = 	snop  }
0x5: {  	_ = 	snop  }
0x6: {  	_ = 	snop  }
0x7: {  	_ = 	snop  }
__scs_overlays_trampoline_lowered:
0x8: {  	[smem:$0x3FA9] =	sst s0  }
0x9: {  	[smem:$0x3FAA] =	sst s1  }
0xa: {  	[smem:$0x3FAB] =	sst s2  }
0xb: {  	[smem:$0x3FAC] =	sst s3  }
0xc: {  	[smem:$0x3FAD] =	sst s4  }
0xd: {  	[smem:$0x3FAE] =	sst s5  }
0xe: {  	[smem:$0x3FAF] =	sst s6  }
0xf: {  	[smem:$0x3FB0] =	sst s7  }
0x10: {  	[smem:$0x3FB1] =	sst s8  }
0x11: {  	[smem:$0x3FB2] =	sst s9;
	s0 =	simm.s32 @!p0 $0x0  }
0x12: {  	s1 =	sld [smem:$0x3F98];
	s0 =	simm.s32 @p0 $0x1  }
0x13: {  	[smem:$0x3FB3] =	sst s0;
	s0 =	simm.s32 @!p1 $0x0  }
0x14: {  	s2 =	sld [smem:$0x3F97];
	s0 =	simm.s32 @p1 $0x1  }
0x15: {  	[smem:$0x3FB4] =	sst s0;
	s0 =	simm.s32 @!p2 $0x0  }
0x16: {  	s3 =	sld [smem:$0x3FDB];
	s0 =	simm.s32 @p2 $0x1  }
0x17: {  	s4 =	simm.s32 $0x1BF5;
	[smem:$0x3FB6] =	sst s0  }
0x18: {  	s0 =	sld [smem:$0x3F99];
	_ =	swait.ge [sflag:s4], $0x0  }
0x19: {  	s7 =	sld [smem:$0x3F9A]  }
0x1a: {  	s8 =	sadd.s32 $0xFFFFE003, lr  }
0x1b: {  	s9 =	sadd.s32 $0xFFFFFEF7, lr;
	s5 =	simm.s32 $0xFFFFFFFF;
	p2 =	slt.u32 s8, $0xFFFFF086  }
0x1c: {  	p1 =	slt.u32 s9, $0xF7A;
	s5 =	simm.s32 @!p2 $0x0  }
0x1d: {  	s5 =	simm.s32 @p1 $0x1;
	p0 =	seq.s32 s7, s2  }
0x1e: {  	s7 =	smul.u32 @!p0 $0xF7A, s2;
	p2 =	seq.s32 @!p0 s5, $0x0  }
0x1f: {  	s9 =	smul.u32 $0xF7A, s1;
	s8 =	simm.s32 @!p0 $0x1BF5;
	p2 =	por !p2, p0  }
0x20: {  	[sflag:s8] =	ssyncset.s32 @!p0 $0xFFFFF086;
	s6 =	sadd.s32 @!p0 s3, s7;
	s7 =	simm.s32 @!p0 $0x108  }
0x21: {  	s3 =	sadd.s32 s3, s9;
	s6 =	sadd.s32 @!p0 $0x88, s6;
	s7 =	simm.s32 @p2 $0x1082  }
0x22: {  	[simem:s7], [sflag:s8] =	dma.local @!p0 [hbm:s6], $0xF7A  }
0x23: {  	s9 =	sor.u32 $0xD0000000, s2;
	s6 =	simm.s32 $0x108;
	_ =	swait.ge @!p0 [sflag:s8], $0x0  }
0x24: {  	s3 =	sadd.s32 $0x88, s3;
	s6 =	simm.s32 @!p1 $0x1082;
	[sflag:s4] =	ssyncset.s32 $0xFFFFF086  }
0x25: {  	[simem:s6], [sflag:s4] =	dma.local [hbm:s3], $0xF7A  }
0x26: {  	[smem:$0x3F9A] =	sst s1;
	(tag) =	ssettag s2;
	_ =	strace s9  }
0x27: {  	s1 =	sld [smem:$0x3FAA]  }
0x28: {  	s2 =	sld [smem:$0x3FAB]  }
0x29: {  	s4 =	sld [smem:$0x3FAD]  }
0x2a: {  	p0 =	seq.s32 s5, $0x0;
	s5 =	sld [smem:$0x3FAE]  }
0x2b: {  	s6 =	sld [smem:$0x3FAF]  }
0x2c: {  	s7 =	sld [smem:$0x3FB0]  }
0x2d: {  	s3 =	simm.s32 $0x108;
	s8 =	sld [smem:$0x3FB1]  }
0x2e: {  	s3 =	simm.s32 @!p0 $0x1082;
	s9 =	sld [smem:$0x3FB2]  }
0x2f: {  	lr =	sadd.s32 s0, s3;
	s0 =	sld [smem:$0x3FA9]  }
0x30: {  	s3 =	sld [smem:$0x3FAC]  }
0x31: {  	[smem:$0x3FB5] =	sst s10  }
0x32: {  	s10 =	sld [smem:$0x3FB3];
	_ =	sdelay $0x3  }
0x33: {  	p0 =	seq.s32 s10, $0x1;
	s10 =	sld [smem:$0x3FB5];
	_ =	sdelay $0x3  }
0x34: {  	[smem:$0x3FB5] =	sst s10  }
0x35: {  	s10 =	sld [smem:$0x3FB4];
	_ =	sdelay $0x3  }
0x36: {  	p1 =	seq.s32 s10, $0x1;
	s10 =	sld [smem:$0x3FB5];
	_ =	sdelay $0x3  }
0x37: {  	[smem:$0x3FB5] =	sst s10  }
0x38: {  	s10 =	sld [smem:$0x3FB6]  }
0x39: {  	_ = 	snop;
	(pc) =	sbr.ind lr, $3  }
0x3a: {  	_ = 	snop  }
0x3b: {  	_ = 	snop  }
0x3c: {  	p2 =	seq.s32 s10, $0x1;
	s10 =	sld [smem:$0x3FB5]  }
0x3d: {  	_ =	shalt  }
0x3e: {  	_ =	shalt  }
0x3f: {  	_ =	shalt  }
0x40: {  	_ =	shalt  }
0x41: {  	_ =	shalt  }
0x42: {  	_ =	shalt  }
0x43: {  	_ =	shalt  }
0x44: {  	_ =	shalt  }
0x45: {  	_ =	shalt  }
0x46: {  	_ =	shalt  }
0x47: {  	_ =	shalt  }
0x48: {  	_ =	shalt  }
0x49: {  	_ =	shalt  }
0x4a: {  	_ =	shalt  }
0x4b: {  	_ =	shalt  }
0x4c: {  	_ =	shalt  }
0x4d: {  	_ =	shalt  }
0x4e: {  	_ =	shalt  }
0x4f: {  	_ =	shalt  }
0x50: {  	_ =	shalt  }
0x51: {  	_ =	shalt  }
0x52: {  	_ =	shalt  }
0x53: {  	_ =	shalt  }
0x54: {  	_ =	shalt  }
0x55: {  	_ =	shalt  }
0x56: {  	_ =	shalt  }
0x57: {  	_ =	shalt  }
0x58: {  	_ =	shalt  }
0x59: {  	_ =	shalt  }
0x5a: {  	_ =	shalt  }
0x5b: {  	_ =	shalt  }
0x5c: {  	_ =	shalt  }
0x5d: {  	_ =	shalt  }
0x5e: {  	_ =	shalt  }
0x5f: {  	_ =	shalt  }
0x60: {  	_ =	shalt  }
0x61: {  	_ =	shalt  }
0x62: {  	_ =	shalt  }
0x63: {  	_ =	shalt  }
0x64: {  	_ =	shalt  }
0x65: {  	_ =	shalt  }
0x66: {  	_ =	shalt  }
0x67: {  	_ =	shalt  }
0x68: {  	_ =	shalt  }
0x69: {  	_ =	shalt  }
0x6a: {  	_ =	shalt  }
0x6b: {  	_ =	shalt  }
0x6c: {  	_ =	shalt  }
0x6d: {  	_ =	shalt  }
0x6e: {  	_ =	shalt  }
0x6f: {  	_ =	shalt  }
0x70: {  	_ =	shalt  }
0x71: {  	_ =	shalt  }
0x72: {  	_ =	shalt  }
0x73: {  	_ =	shalt  }
0x74: {  	_ =	shalt  }
0x75: {  	_ =	shalt  }
0x76: {  	_ =	shalt  }
0x77: {  	_ =	shalt  }
0x78: {  	_ =	shalt  }
0x79: {  	_ =	shalt  }
0x7a: {  	_ =	shalt  }
0x7b: {  	_ =	shalt  }
0x7c: {  	_ =	shalt  }
0x7d: {  	_ =	shalt  }
0x7e: {  	_ =	shalt  }
0x7f: {  	_ =	shalt  }
0x80: {  	_ =	shalt  }
0x81: {  	_ =	shalt  }
0x82: {  	_ =	shalt  }
0x83: {  	_ =	shalt  }
0x84: {  	_ =	shalt  }
0x85: {  	_ =	shalt  }
0x86: {  	_ =	shalt  }
0x87: {  	_ =	shalt  }
.Lfunc_end0:
.L_simem_size_0:
called_computation_lowered:
.L_overlay_start_0:
0x88: {  	s2 =	sld [smem:$0x3FD9]  }
0x89: {  	s3 =	sld [smem:$0x3FFE];
	_ =	sdelay $0x1  }
0x8a: {  	s1 =	srdreg.scid  }
0x8b: {  	s0 =	sand.u32 $0x1, s1  }
0x8c: {  	s17 =	sshll.u32 s0, $0xA;
	s2 =	sadd.s32 s3, s2  }
0x8d: {  	s2 =	sadd.s32 s2, s17  }
0x8e: {  	[smem:$0x3FC1] =	sst s2  }
0x8f: {  	_ = 	snop  }
0x90: {  	s2 =	sld [smem:$0x3FC9]  }
0x91: {  	s18 =	sld [smem:$0x3FC7];
	(tm) =	ssettm $0x1  }
0x92: {  	s4 =	sld [smem:$0x3FFB];
	_ =	sdelay $0x3  }
0x93: {  	_ =	strace s4  }
0x94: {  	s4 =	sld [smem:$0x3FFC];
	_ =	sdelay $0x3  }
0x95: {  	_ =	strace s4  }
0x96: {  	s4 =	sld [smem:$0x3FFD];
	_ =	sdelay $0x3  }
0x97: {  	_ =	strace s4  }
0x98: {  	_ =	strace $0x8FFFFFFF  }
0x99: {  	s19 =	sld [smem:$0x3FDB];
	_ =	sdelay $0x1  }
0x9a: {  	s5 =	simm.s32 $_scs_section_size  }
0x9b: {  	s6 =	simm.s32 $_size__tile_overlayer_lowered;
	s7 =	simm.s32 $_tile_overlayer_lowered  }
0x9c: {  	s22 =	simm.s32 $0x1BFF;
	s21 =	sshll.u32 s7, $0x1;
	s4 =	sadd.s32 s5, s19  }
0x9d: {  	s8 =	simm.s32 $0x0;
	s20 =	sshll.u32 s6, $0x1;
	s6 =	sadd.s32 s21, s4  }
0x9e: {  	[timem:s8], [sflag:s22] =	dma.local [hbm:s6], s20  }
0x9f: {  	_ =	swait.ge [sflag:s22], s20  }
0xa0: {  	s5 =	ssub.s32 $0x0, s20;
	[sflag:s22] =	ssyncset.done $0x0  }
0xa1: {  	[sflag:s22] =	ssyncadd.s32 s5;
	_ =	sdelay $0x1  }
0xa2: {  	s23 =	simm.s32 $0x1B8B  }
0xa3: {  	_ =	swait.ge [sflag:s23], $0x1  }
0xa4: {  	[sflag:s23] =	ssyncset.done $0x0  }
0xa5: {  	s25 =	simm.s32 $0x1B8E;
	s24 =	sld [smem:$0x3FFE];
	[sflag:s23] =	ssyncadd.s32 $0xFFFFFFFF  }
0xa6: {  	s26 =	simm.s32 $execute0_lowered;
	[smem:$0x3FD2] =	sst s25  }
0xa7: {  	s6 =	sshll.u32 s26, $0x1;
	_ =	strace $0x80000046;
	[dreg:$0x1] =	wrdreg $0xFFFFFFFF  }
0xa8: {  	s28 =	simm.s32 $_size_execute0_lowered;
	s4 =	sadd.s32 s4, s6;
	[dreg:$0x0] =	wrdreg $0x0  }
0xa9: {  	s6 =	sshll.u32 s28, $0x1;
	[dreg:$0x2] =	wrdreg s4  }
0xaa: {  	[dreg:$0x3] =	wrdreg s6  }
0xab: {  	[dreg:$0x4] =	wrdreg $0xC0  }
0xac: {  	_ =	task [dreg:s8], $0x5FFFF  }
0xad: {  	[dreg:$0x1] =	wrdreg $0xFFFFFFFF  }
0xae: {  	[dreg:$0x0] =	wrdreg $0x60  }
0xaf: {  	[dreg:$0x2] =	wrdreg s18  }
0xb0: {  	[dreg:$0x3] =	wrdreg s2  }
0xb1: {  	[dreg:$0x4] =	wrdreg s24  }
0xb2: {  	[dreg:$0x5] =	wrdreg $0x9  }
0xb3: {  	_ =	task.clear_ibuf [dreg:s8], $0x6FFFF;
	_ =	strace $0x90000046  }
0xb4: {  	s29 =	simm.s32 $0x9;
	_ =	strace $0x80000048  }
0xb5: {  	_ =	swait.ge [sflag:s29], $0x1  }
0xb6: {  	[sflag:s29] =	ssyncadd.s32 $0xFFFFFFFF  }
0xb7: {  	_ =	strace $0x90000048  }
0xb8: {  	_ =	sfence  }
0xb9: {  	s30 =	sld [smem:$0x0];
	_ =	sdelay $0x2  }
0xba: {  	s31 =	sshll.u32 s1, $0xD;
	s1 =	sshrl.u32 s1, $0x2  }
0xbb: {  	s3 =	sand.u32 $0x4000, s31;
	s1 =	sadd.s32 s1, s30  }
0xbc: {  	s0 =	sor.u32 s3, s0;
	s1 =	sshll.u32 s1, $0x11  }
0xbd: {  	s0 =	sor.u32 s1, s0  }
0xbe: {  	s0 =	sadd.s32 $0x8F2B, s0  }
0xbf: {  	[sflag:s0] =	ssyncadd.remote.s32 $0x1  }
0xc0: {  	_ =	sfence.sel $0xFFFF  }
0xc1: {  	[dreg:$0x0] =	wrdreg $0xFFFFFFFF;
	(pc) =	sbr.abs _section_cstart, $3  }
0xc2: {  	[dreg:$0x1] =	wrdreg $0xFFFFFFFF  }
0xc3: {  	_ =	task.clear_ibuf [dreg:s8], $0x2FFFF;
	_ =	strace $0x9FFFFFFF  }
0xc4: {  	(tm) =	ssettm $0x7FFFFFFF  }
0xc5: {  	_ =	shalt  }
tec
execute0_lowered:
.L_overlay_start_1:
0x0: {  	(tag) =	ssettag $0x1  }
0x1: {  	s1 =	rddreg [dreg:$0x0];
	s2 =	srdreg.scid  }
0x2: {  	s4 =	rddreg [dreg:$0x1];
	s0 =	stileid.u32;
	s10 =	sand.u32 $0x1, s2  }
0x3: {  	s11 =	rddreg [dreg:$0x2];
	s5 =	sshll.u32 s0, $0x2;
	s6 =	sshll.u32 s10, $0x1  }
0x4: {  	s3 =	simm.s32 $0x0;
	s2 =	rddreg [dreg:$0x3];
	s12 =	sor.u32 s6, s5  }
0x5: {  	[smem:$0x7FF] =	sst s3;
	s5 =	sshll.u32 s12, $0x4  }
0x6: {  	_ =	strace $0x80000047;
	s5 =	sadd.s32 s4, s5;
	s4 =	simm.s32 $0x2  }
0x7: {  	[tilespmem:s3], [sflag:$0x2] =	stream.linear.gather [hbm4b:s5+s3], $0x100, $0x38;
	[tilespmem:$0x8100] =	vst v63  }
0x8: {  	_ =	swait.ge [sflag:s4], $0x100  }
0x9: {  	[sflag:s4] =	ssyncset.done $0x0  }
0xa: {  	s7 =	simm.s32 $0x100;
	s6 =	simm.s32 $0x80;
	[sflag:s4] =	ssyncadd.s32 $0xFFFFFF00  }
0xb: {  	[tilespmem:s7], [sflag:$0x1] =	stream.indirect.gather [hbm4b:s1+s6], $0x80, s3, s6, $0xb8;
	[tilespmem:$0x8100] =	vst v63  }
0xc: {  	s8 =	simm.s32 $0x4100;
	s9 =	simm.s32 $0x1;
	s10 =	ssub.s32 $0x2, s10  }
0xd: {  	[tilespmem:s8], [sflag:$0x1] =	stream.indirect.gather [hbm4b:s1+s6], $0x80, s6, s6, $0xb8;
	[tilespmem:$0x8100] =	vst v63  }
0xe: {  	s13 =	sshrl.u32 s10, $0x1;
	_ =	swait.ge [sflag:s9], $0x4000  }
0xf: {  	s30 =	ssub.s32 s10, s13;
	[sflag:s9] =	ssyncset.done $0x0  }
0x10: {  	s31 =	smax.u32 s30, $0x1;
	[sflag:s9] =	ssyncadd.s32 $0xFFFFC000  }
0x11: {  	s12 =	sshll.u32 s12, $0xB;
	p0 =	sne.s32 s31, $0x1;
	_ =	swait.ge [sflag:s9], $0x4000  }
.Ltmp0:
0x12: {  	s11 =	sadd.s32 s12, s11;
	[sflag:s9] =	ssyncset.done $0x0;
	(pc) =	sbr.rel @!p0 .LBB2_2-.Ltmp0, $4  }
0x13: {  	s10 =	sadd.s32 $0xE00, s11;
	[sflag:s9] =	ssyncadd.s32 $0xFFFFC000  }
0x14: {  	[hbm4b:s10+s3] =	stream.linear.scatter [tilespmem:s7], [sflag:$0x2], $0x8000, $0x38;
	[tilespmem:$0x8100] =	vst v63  }
0x15: {  	_ =	swait.ge [sflag:s4], $0x8000  }
0x16: {  	s11 =	sadd.s32 $0xFFFFFFFF, s31;
	[sflag:s4] =	ssyncset.done $0x0  }
.LBB2_1:
0x17: {  	p0 =	sne.s32 s11, $0x1;
	s11 =	sadd.s32 $0xFFFFFFFF, s11;
	[sflag:s4] =	ssyncadd.s32 $0xFFFF8000  }
0x18: {  	[tilespmem:s3], [sflag:$0x2] =	stream.linear.gather [hbm4b:s5+s3], $0x100, $0x38;
	[tilespmem:$0x8100] =	vst v63  }
0x19: {  	_ =	swait.ge [sflag:s4], $0x100  }
0x1a: {  	[sflag:s4] =	ssyncset.done $0x0  }
0x1b: {  	[sflag:s4] =	ssyncadd.s32 $0xFFFFFF00  }
0x1c: {  	[tilespmem:s7], [sflag:$0x1] =	stream.indirect.gather [hbm4b:s1+s6], $0x80, s3, s6, $0xb8;
	[tilespmem:$0x8100] =	vst v63  }
0x1d: {  	_ = 	snop  }
0x1e: {  	[tilespmem:s8], [sflag:$0x1] =	stream.indirect.gather [hbm4b:s1+s6], $0x80, s6, s6, $0xb8;
	[tilespmem:$0x8100] =	vst v63  }
0x1f: {  	_ =	swait.ge [sflag:s9], $0x4000  }
0x20: {  	[sflag:s9] =	ssyncset.done $0x0  }
0x21: {  	[sflag:s9] =	ssyncadd.s32 $0xFFFFC000  }
0x22: {  	_ =	swait.ge [sflag:s9], $0x4000  }
.Ltmp1:
0x23: {  	[sflag:s9] =	ssyncset.done $0x0;
	(pc) =	sbr.rel @p0 .LBB2_1-.Ltmp1, $4  }
0x24: {  	[sflag:s9] =	ssyncadd.s32 $0xFFFFC000  }
0x25: {  	[hbm4b:s10+s3] =	stream.linear.scatter [tilespmem:s7], [sflag:$0x2], $0x8000, $0x38;
	[tilespmem:$0x8100] =	vst v63  }
0x26: {  	_ =	swait.ge [sflag:s4], $0x8000  }
0x27: {  	[sflag:s4] =	ssyncset.done $0x0  }
.LBB2_2:
0x28: {  	[sflag:s4] =	ssyncadd.s32 $0xFFFF8000  }
0x29: {  	_ =	sfence.sel $0x180000  }
0x2a: {  	[bflag:$0x0] =	sbarrier.arrive $0xFFFF  }
0x2b: {  	p0 =	sne.s32 s0, $0x0;
	_ =	strace $0x90000047  }
0x2c: {  	s0 =	sadd.s32 @!p0 $0x100000, s2;
	[bflag:$0x2] =	sbarrier.arrive $0xFFFF  }
0x2d: {  	[sflag:s0] =	ssyncadd.tile.s32 @!p0 $0x1;
	_ =	shalt  }
.Lfunc_end2:
_tile_overlayer_lowered:
.L_overlay_start_2:
0x2e: {  	(tag) =	ssettag $0x2  }
0x2f: {  	s0 =	rddreg [dreg:$0x0];
	s2 =	stileid.u32  }
0x30: {  	s1 =	rddreg [dreg:$0x1];
	p0 =	sne.s32 s2, $0x0  }
0x31: {  	s3 =	rddreg [dreg:$0x2];
	[bflag:$0x3] =	sbarrier.arrive $0xFFFF;
	s2 =	simm.s32 @!p0 $0x1C02  }
0x32: {  	[timem:s3], [sflag:s2] =	dma.local @!p0 [hbm:s0], s1  }
0x33: {  	s0 =	simm.s32 @!p0 $0x2  }
0x34: {  	_ =	swait.ge @!p0 [sflag:s0], s1  }
0x35: {  	s1 =	ssub.s32 @!p0 $0x0, s1;
	[sflag:s0] =	ssyncset.done @!p0 $0x0  }
0x36: {  	[sflag:s0] =	ssyncadd.s32 @!p0 s1  }
0x37: {  	[bflag:$0x3] =	sbarrier.arrive $0xFFFF  }
0x38: {  	_ =	shalt  }

</sc_bundles>
